<compile_context>
chip_gen: v7x
topology: tpu7x:2x2x1
jax: 0.10.2.dev20260603
libtpu: 0.0.44.dev20260713+nightly
codegen_flags: <defaults>
</compile_context>

<pallas_src>
import jax
import jax.numpy as jnp
from jax.experimental import pallas as pl
from jax.experimental.pallas import tpu as pltpu

_N_TOP = 6000
_PAD = 6144
_T = 256
_NB = _PAD // _T
_OUT = 2000
_TH = 0.7


def _decode(a0, a1, a2, a3, d0, d1, d2, d3):
    h = a2 - a0
    w = a3 - a1
    cy = a0 + h / 2.0
    cx = a1 + w / 2.0
    cy = cy + d0 * h
    cx = cx + d1 * w
    h = h * jnp.exp(d2)
    w = w * jnp.exp(d3)
    y1 = cy - 0.5 * h
    x1 = cx - 0.5 * w
    y2 = y1 + h
    x2 = x1 + w
    y1 = jnp.clip(y1, 0.0, 1.0)
    x1 = jnp.clip(x1, 0.0, 1.0)
    y2 = jnp.clip(y2, 0.0, 1.0)
    x2 = jnp.clip(x2, 0.0, 1.0)
    area = (y2 - y1) * (x2 - x1)
    return y1, x1, y2, x2, area


def _iou_tile(cy1, cx1, cy2, cx2, car, ry1, rx1, ry2, rx2, rar):
    yy1 = jnp.maximum(cy1, ry1)
    xx1 = jnp.maximum(cx1, rx1)
    yy2 = jnp.minimum(cy2, ry2)
    xx2 = jnp.minimum(cx2, rx2)
    inter = jnp.maximum(yy2 - yy1, 0.0) * jnp.maximum(xx2 - xx1, 0.0)
    union = car + rar - inter
    return inter / (union + 1e-9)


def _nms_kernel(a_ref, d_ref, at_ref, dt_ref, out_ref,
                c_refs0, c_refs1, c_refs2, c_refs3, c_refs4,
                r_refs0, r_refs1, r_refs2, r_refs3, r_refs4,
                krow_ref, kcol_ref):
    f32 = jnp.float32
    a = a_ref[0]
    d = d_ref[0]
    at = at_ref[0]
    dt = dt_ref[0]
    c_refs = (c_refs0, c_refs1, c_refs2, c_refs3, c_refs4)
    r_refs = (r_refs0, r_refs1, r_refs2, r_refs3, r_refs4)

    cvals = _decode(
        a[:, 0:1], a[:, 1:2], a[:, 2:3], a[:, 3:4],
        d[:, 0:1] * 0.1, d[:, 1:2] * 0.1, d[:, 2:3] * 0.2, d[:, 3:4] * 0.2,
    )
    rvals = _decode(
        at[0:1, :], at[1:2, :], at[2:3, :], at[3:4, :],
        dt[0:1, :] * 0.1, dt[1:2, :] * 0.1, dt[2:3, :] * 0.2, dt[3:4, :] * 0.2,
    )
    for ref, val in zip(c_refs, cvals):
        ref[:, :] = val
    for ref, val in zip(r_refs, rvals):
        ref[:, :] = val

    ii = jax.lax.broadcasted_iota(jnp.int32, (_T, _T), 0)
    jj = jax.lax.broadcasted_iota(jnp.int32, (_T, _T), 1)
    eye = ii == jj
    upper = ii < jj
    le = ii <= jj
    lane_t = jax.lax.broadcasted_iota(jnp.int32, (1, _T), 1)

    def col_slices(i0):
        return tuple(ref[pl.ds(i0, _T), :] for ref in c_refs)

    def row_slices(j0):
        return tuple(ref[:, pl.ds(j0, _T)] for ref in r_refs)

    def outer(b, carry):
        j0 = b * _T
        rb = row_slices(j0)
        bvalid = jnp.where(lane_t + j0 < _N_TOP, 1.0, 0.0).astype(f32)

        def inner(ablk, supp):
            i0 = ablk * _T
            cb = col_slices(i0)
            kc = kcol_ref[pl.ds(i0, _T), :]
            iou = _iou_tile(*cb, *rb)
            hit = jnp.where(iou > _TH, kc, 0.0)
            return jnp.maximum(supp, jnp.max(hit, axis=0, keepdims=True))

        supp = jax.lax.fori_loop(0, b, inner, jnp.zeros((1, _T), f32))
        init = jnp.where(supp > 0.0, 0.0, bvalid)

        cb = col_slices(j0)
        iou_bb = _iou_tile(*cb, *rb)
        smat = jnp.where((iou_bb > _TH) & upper, 1.0, 0.0)

        def wcond(c):
            return c[1] > 0.5

        def wbody(c):
            k, _ = c
            kcol = jnp.sum(jnp.where(eye, k, 0.0), axis=1, keepdims=True)
            sup = jnp.max(smat * kcol, axis=0, keepdims=True)
            knew = jnp.where(sup > 0.0, 0.0, init)
            changed = jnp.sum(jnp.abs(knew - k))
            return (knew, changed)

        kfin, _ = jax.lax.while_loop(wcond, wbody, (init, jnp.asarray(1.0, f32)))
        kcol_fin = jnp.sum(jnp.where(eye, kfin, 0.0), axis=1, keepdims=True)
        krow_ref[:, pl.ds(j0, _T)] = kfin
        kcol_ref[pl.ds(j0, _T), :] = kcol_fin
        return carry

    jax.lax.fori_loop(0, _NB, outer, jnp.asarray(0, jnp.int32))

    r_iota = jax.lax.broadcasted_iota(jnp.int32, (_OUT, 1), 0).astype(f32)

    def comp(b, carry):
        off, o0, o1, o2, o3 = carry
        j0 = b * _T
        kc = kcol_ref[pl.ds(j0, _T), :]
        kr = krow_ref[:, pl.ds(j0, _T)]
        cs = jnp.sum(jnp.where(le, kc, 0.0), axis=0, keepdims=True)
        pos = off + cs - 1.0
        oh = jnp.where((r_iota == pos) & (kr > 0.0), 1.0, 0.0)
        by1, bx1, by2, bx2, _ = row_slices(j0)
        o0 = o0 + jnp.sum(oh * by1, axis=1, keepdims=True)
        o1 = o1 + jnp.sum(oh * bx1, axis=1, keepdims=True)
        o2 = o2 + jnp.sum(oh * by2, axis=1, keepdims=True)
        o3 = o3 + jnp.sum(oh * bx2, axis=1, keepdims=True)
        off = off + jnp.sum(kc)
        return off, o0, o1, o2, o3

    z = jnp.zeros((_OUT, 1), f32)
    _, o0, o1, o2, o3 = jax.lax.fori_loop(
        0, _NB, comp, (jnp.asarray(0.0, f32), z, z, z, z)
    )
    out_ref[0, :, 0:1] = o0
    out_ref[0, :, 1:2] = o1
    out_ref[0, :, 2:3] = o2
    out_ref[0, :, 3:4] = o3


@jax.jit
def kernel(rpn_probs, rpn_bbox, anchors):
    batch = rpn_probs.shape[0]
    scores = rpn_probs[:, :, 1]
    _, ix = jax.lax.top_k(scores, _N_TOP)
    d = jnp.take_along_axis(rpn_bbox, ix[:, :, None], axis=1)
    a = jnp.take_along_axis(anchors, ix[:, :, None], axis=1)
    padw = ((0, 0), (0, _PAD - _N_TOP), (0, 0))
    a = jnp.pad(a, padw)
    d = jnp.pad(d, padw)
    at = jnp.transpose(a, (0, 2, 1))
    dt = jnp.transpose(d, (0, 2, 1))
    def _probe_kernel(a_ref, d_ref, at_ref, dt_ref, out_ref, *scratch):
        out_ref[0] = a_ref[0, : _OUT, :] + d_ref[0, : _OUT, :] + at_ref[0, 0, 0] + dt_ref[0, 0, 0]

    col = pltpu.VMEM((_PAD, 1), jnp.float32)
    row = pltpu.VMEM((1, _PAD), jnp.float32)
    return pl.pallas_call(
        _probe_kernel,
        grid=(batch,),
        in_specs=[
            pl.BlockSpec((1, _PAD, 4), lambda b: (b, 0, 0)),
            pl.BlockSpec((1, _PAD, 4), lambda b: (b, 0, 0)),
            pl.BlockSpec((1, 4, _PAD), lambda b: (b, 0, 0)),
            pl.BlockSpec((1, 4, _PAD), lambda b: (b, 0, 0)),
        ],
        out_specs=pl.BlockSpec((1, _OUT, 4), lambda b: (b, 0, 0)),
        out_shape=jax.ShapeDtypeStruct((batch, _OUT, 4), jnp.float32),
        scratch_shapes=[col] * 5 + [row] * 5 + [row, col],
        compiler_params=pltpu.CompilerParams(
            dimension_semantics=("parallel",),
        ),
    )(a, d, at, dt)

# --- scband reference (transcript-rebuilt; emitter-appended) ---
"""Pipeline reference for scband-proposal-layer-24421184045199 (READ-ONLY COPY).

The authoritative reference and input builder live on the scoring server;
editing this copy changes nothing except your own understanding.
"""

import jax, jax.numpy as jnp
import numpy as np

B = 2
N = 20000
PROPOSAL_COUNT = 2000
NMS_THRESHOLD = 0.7
PRE_NMS_LIMIT = 6000
RPN_BBOX_STD_DEV = np.array([0.1, 0.1, 0.2, 0.2], dtype=np.float32)


def setup_inputs(seed: int = 0) -> dict:
    key = jax.random.key(seed)
    k1, k2, k3, k4, k5, k6 = jax.random.split(key, 6)
    rpn_probs = jax.random.uniform(k1, (B, N, 2), dtype=jnp.float32)
    rpn_bbox = jax.random.normal(k2, (B, N, 4), dtype=jnp.float32) * 0.5
    yc = jax.random.uniform(k3, (B, N), dtype=jnp.float32)
    xc = jax.random.uniform(k4, (B, N), dtype=jnp.float32)
    h = jax.random.uniform(k5, (B, N), dtype=jnp.float32, minval=0.02, maxval=0.3)
    w = jax.random.uniform(k6, (B, N), dtype=jnp.float32, minval=0.02, maxval=0.3)
    anchors = jnp.stack([yc - h / 2.0, xc - w / 2.0, yc + h / 2.0, xc + w / 2.0], axis=2)
    return {"rpn_probs": rpn_probs, "rpn_bbox": rpn_bbox, "anchors": anchors}


def _apply_box_deltas(boxes, deltas):
    height = boxes[:, 2] - boxes[:, 0]
    width = boxes[:, 3] - boxes[:, 1]
    center_y = boxes[:, 0] + height / 2.0
    center_x = boxes[:, 1] + width / 2.0
    center_y = center_y + deltas[:, 0] * height
    center_x = center_x + deltas[:, 1] * width
    height = height * jnp.exp(deltas[:, 2])
    width = width * jnp.exp(deltas[:, 3])
    y1 = center_y - 0.5 * height
    x1 = center_x - 0.5 * width
    y2 = y1 + height
    x2 = x1 + width
    return jnp.stack([y1, x1, y2, x2], axis=1)


def _clip_boxes(boxes):
    # window = [0, 0, 1, 1]
    y1 = jnp.clip(boxes[..., 0], 0.0, 1.0)
    x1 = jnp.clip(boxes[..., 1], 0.0, 1.0)
    y2 = jnp.clip(boxes[..., 2], 0.0, 1.0)
    x2 = jnp.clip(boxes[..., 3], 0.0, 1.0)
    return jnp.stack([y1, x1, y2, x2], axis=-1)


def _iou_matrix(b):
    y1, x1, y2, x2 = b[:, 0], b[:, 1], b[:, 2], b[:, 3]
    area = (y2 - y1) * (x2 - x1)
    yy1 = jnp.maximum(y1[:, None], y1[None, :])
    xx1 = jnp.maximum(x1[:, None], x1[None, :])
    yy2 = jnp.minimum(y2[:, None], y2[None, :])
    xx2 = jnp.minimum(x2[:, None], x2[None, :])
    inter = jnp.maximum(yy2 - yy1, 0.0) * jnp.maximum(xx2 - xx1, 0.0)
    union = area[:, None] + area[None, :] - inter
    return inter / (union + 1e-9)


def _nms_single(boxes):
    # boxes are already sorted by score descending (from top_k)
    n = boxes.shape[0]
    iou = _iou_matrix(jax.lax.stop_gradient(boxes))
    idxs = jnp.arange(n)

    def body(i, keep):
        suppress = (iou[i] > NMS_THRESHOLD) & (idxs > i) & keep[i]
        return keep & (~suppress)

    keep = jax.lax.fori_loop(0, n, body, jnp.ones((n,), dtype=bool))
    # stable argsort puts kept boxes first, preserving score order
    order = jnp.argsort(jnp.where(keep, 0, 1))
    sel = order[:PROPOSAL_COUNT]
    props = jnp.where(keep[sel][:, None], boxes[sel], 0.0)
    return props


def reference(rpn_probs, rpn_bbox, anchors):
    scores = rpn_probs[:, :, 1]
    deltas = rpn_bbox * jnp.asarray(RPN_BBOX_STD_DEV).reshape(1, 1, 4)
    pre_nms_limit = min(PRE_NMS_LIMIT, anchors.shape[1])
    _, ix = jax.lax.top_k(scores, pre_nms_limit)
    d = jnp.take_along_axis(deltas, ix[:, :, None], axis=1)
    a = jnp.take_along_axis(anchors, ix[:, :, None], axis=1)
    boxes = jax.vmap(_apply_box_deltas)(a, d)
    boxes = _clip_boxes(boxes)
    proposals = jax.vmap(_nms_single)(boxes)
    return proposals

if __name__ == "__main__":
    import jax
    _d = setup_inputs()
    print(jax.jit(kernel)(*tuple(_d.values())))

</pallas_src>

<mosaic_0001>
module attributes {stable_mosaic.version = 14 : i64} {
  func.func @_probe_kernel(%arg0: i32, %arg1: memref<1x6144x4xf32, #tpu.memory_space<vmem>>, %arg2: memref<1x6144x4xf32, #tpu.memory_space<vmem>>, %arg3: memref<1x4x6144xf32, #tpu.memory_space<vmem>>, %arg4: memref<1x4x6144xf32, #tpu.memory_space<vmem>>, %arg5: memref<1x2000x4xf32, #tpu.memory_space<vmem>>, %arg6: memref<6144x1xf32, #tpu.memory_space<vmem>>, %arg7: memref<6144x1xf32, #tpu.memory_space<vmem>>, %arg8: memref<6144x1xf32, #tpu.memory_space<vmem>>, %arg9: memref<6144x1xf32, #tpu.memory_space<vmem>>, %arg10: memref<6144x1xf32, #tpu.memory_space<vmem>>, %arg11: memref<1x6144xf32, #tpu.memory_space<vmem>>, %arg12: memref<1x6144xf32, #tpu.memory_space<vmem>>, %arg13: memref<1x6144xf32, #tpu.memory_space<vmem>>, %arg14: memref<1x6144xf32, #tpu.memory_space<vmem>>, %arg15: memref<1x6144xf32, #tpu.memory_space<vmem>>, %arg16: memref<1x6144xf32, #tpu.memory_space<vmem>>, %arg17: memref<6144x1xf32, #tpu.memory_space<vmem>>) attributes {dimension_semantics = [#tpu.dimension_semantics<parallel>], iteration_bounds = array<i64: 2>, scalar_prefetch = 0 : i64, scratch_operands = 12 : i64, tpu.core_type = #tpu.core_type<tc>, window_params = [{transform_indices = @transform_0, window_bounds = array<i64: 1, 6144, 4>}, {transform_indices = @transform_1, window_bounds = array<i64: 1, 6144, 4>}, {transform_indices = @transform_2, window_bounds = array<i64: 1, 4, 6144>}, {transform_indices = @transform_3, window_bounds = array<i64: 1, 4, 6144>}, {transform_indices = @transform_4, window_bounds = array<i64: 1, 2000, 4>}]} {
    %get3A = arith.constant 0 : index
    %get3A_0 = arith.constant 0 : index
    %get3A_1 = arith.constant 0 : index
    %get3A_2 = vector.load %arg1[%get3A, %get3A_0, %get3A_1] : memref<1x6144x4xf32, #tpu.memory_space<vmem>>, vector<1x2000x4xf32>
    %get3A_3 = vector.shape_cast %get3A_2 : vector<1x2000x4xf32> to vector<2000x4xf32>
    %get3A_4 = arith.constant 0 : index
    %get3A_5 = arith.constant 0 : index
    %get3A_6 = arith.constant 0 : index
    %get3A_7 = vector.load %arg2[%get3A_4, %get3A_5, %get3A_6] : memref<1x6144x4xf32, #tpu.memory_space<vmem>>, vector<1x2000x4xf32>
    %get3A_8 = vector.shape_cast %get3A_7 : vector<1x2000x4xf32> to vector<2000x4xf32>
    %add3A = arith.addf %get3A_3, %get3A_8 : vector<2000x4xf32>
    %get3A_9 = arith.constant 0 : index
    %get3A_10 = arith.constant 0 : index
    %get3A_11 = arith.constant 0 : index
    %get3A_12 = vector.load %arg3[%get3A_9, %get3A_10, %get3A_11] : memref<1x4x6144xf32, #tpu.memory_space<vmem>>, vector<1x1x1xf32>
    %get3A_13 = vector.extract %get3A_12[0, 0, 0] : f32 from vector<1x1x1xf32>
    %add3A_14 = vector.broadcast %get3A_13 : f32 to vector<2000x4xf32>
    %add3A_15 = arith.addf %add3A, %add3A_14 : vector<2000x4xf32>
    %get3A_16 = arith.constant 0 : index
    %get3A_17 = arith.constant 0 : index
    %get3A_18 = arith.constant 0 : index
    %get3A_19 = vector.load %arg4[%get3A_16, %get3A_17, %get3A_18] : memref<1x4x6144xf32, #tpu.memory_space<vmem>>, vector<1x1x1xf32>
    %get3A_20 = vector.extract %get3A_19[0, 0, 0] : f32 from vector<1x1x1xf32>
    %add3A_21 = vector.broadcast %get3A_20 : f32 to vector<2000x4xf32>
    %add3A_22 = arith.addf %add3A_15, %add3A_21 : vector<2000x4xf32>
    %swap3A = arith.constant 0 : index
    %swap3A_23 = arith.constant 0 : index
    %swap3A_24 = arith.constant 0 : index
    %swap3A_25 = vector.load %arg5[%swap3A, %swap3A_23, %swap3A_24] : memref<1x2000x4xf32, #tpu.memory_space<vmem>>, vector<1x2000x4xf32>
    %swap3A_26 = vector.shape_cast %swap3A_25 : vector<1x2000x4xf32> to vector<2000x4xf32>
    %swap3A_27 = vector.shape_cast %add3A_22 : vector<2000x4xf32> to vector<1x2000x4xf32>
    tpu.vector_store %arg5[%swap3A, %swap3A_23, %swap3A_24], %swap3A_27 {strides = array<i32>} : memref<1x2000x4xf32, #tpu.memory_space<vmem>>, vector<1x2000x4xf32>,
    return
  }
  func.func @transform_0(%arg0: i32) -> (i32, i32, i32) {
    %c0_i32 = arith.constant 0 : i32
    %c0_i32_0 = arith.constant 0 : i32
    %c0_i32_1 = arith.constant 0 : i32
    return %arg0, %c0_i32, %c0_i32_0 : i32, i32, i32
  }
  func.func @transform_1(%arg0: i32) -> (i32, i32, i32) {
    %c0_i32 = arith.constant 0 : i32
    %c0_i32_0 = arith.constant 0 : i32
    %c0_i32_1 = arith.constant 0 : i32
    return %arg0, %c0_i32, %c0_i32_0 : i32, i32, i32
  }
  func.func @transform_2(%arg0: i32) -> (i32, i32, i32) {
    %c0_i32 = arith.constant 0 : i32
    %c0_i32_0 = arith.constant 0 : i32
    %c0_i32_1 = arith.constant 0 : i32
    return %arg0, %c0_i32, %c0_i32_0 : i32, i32, i32
  }
  func.func @transform_3(%arg0: i32) -> (i32, i32, i32) {
    %c0_i32 = arith.constant 0 : i32
    %c0_i32_0 = arith.constant 0 : i32
    %c0_i32_1 = arith.constant 0 : i32
    return %arg0, %c0_i32, %c0_i32_0 : i32, i32, i32
  }
  func.func @transform_4(%arg0: i32) -> (i32, i32, i32) {
    %c0_i32 = arith.constant 0 : i32
    %c0_i32_0 = arith.constant 0 : i32
    %c0_i32_1 = arith.constant 0 : i32
    return %arg0, %c0_i32, %c0_i32_0 : i32, i32, i32
  }
}

</mosaic_0001>

<sc_bundles>
// kernel: gather_offload_async_start.1
scs
__scs_entry_jumppad:
0x0: {  	(pc) =	sbr.rel $0x88, $3  }
0x1: {  	(tag) =	ssettag $0x0;
	lr =	simm.s32 $0x1  }
0x2: {  	[smem:$0x3F9E] =	sst lr;
	_ =	strace $0xD0000000  }
0x3: {  	_ = 	snop  }
0x4: {  	_ = 	snop  }
0x5: {  	_ = 	snop  }
0x6: {  	_ = 	snop  }
0x7: {  	_ = 	snop  }
__scs_overlays_trampoline_lowered:
0x8: {  	[smem:$0x3FAD] =	sst s0  }
0x9: {  	[smem:$0x3FAE] =	sst s1  }
0xa: {  	[smem:$0x3FAF] =	sst s2  }
0xb: {  	[smem:$0x3FB0] =	sst s3  }
0xc: {  	[smem:$0x3FB1] =	sst s4  }
0xd: {  	[smem:$0x3FB2] =	sst s5  }
0xe: {  	[smem:$0x3FB3] =	sst s6  }
0xf: {  	[smem:$0x3FB4] =	sst s7  }
0x10: {  	[smem:$0x3FB5] =	sst s8  }
0x11: {  	[smem:$0x3FB6] =	sst s9;
	s0 =	simm.s32 @!p0 $0x0  }
0x12: {  	s1 =	sld [smem:$0x3F9C];
	s0 =	simm.s32 @p0 $0x1  }
0x13: {  	[smem:$0x3FB7] =	sst s0;
	s0 =	simm.s32 @!p1 $0x0  }
0x14: {  	s2 =	sld [smem:$0x3F9B];
	s0 =	simm.s32 @p1 $0x1  }
0x15: {  	[smem:$0x3FB8] =	sst s0;
	s0 =	simm.s32 @!p2 $0x0  }
0x16: {  	s3 =	sld [smem:$0x3FDB];
	s0 =	simm.s32 @p2 $0x1  }
0x17: {  	s4 =	simm.s32 $0x1BF5;
	[smem:$0x3FBA] =	sst s0  }
0x18: {  	s0 =	sld [smem:$0x3F9D];
	_ =	swait.ge [sflag:s4], $0x0  }
0x19: {  	s7 =	sld [smem:$0x3F9E]  }
0x1a: {  	s8 =	sadd.s32 $0xFFFFE003, lr  }
0x1b: {  	s9 =	sadd.s32 $0xFFFFFEF7, lr;
	s5 =	simm.s32 $0xFFFFFFFF;
	p2 =	slt.u32 s8, $0xFFFFF086  }
0x1c: {  	p1 =	slt.u32 s9, $0xF7A;
	s5 =	simm.s32 @!p2 $0x0  }
0x1d: {  	s5 =	simm.s32 @p1 $0x1;
	p0 =	seq.s32 s7, s2  }
0x1e: {  	s7 =	smul.u32 @!p0 $0xF7A, s2;
	p2 =	seq.s32 @!p0 s5, $0x0  }
0x1f: {  	s9 =	smul.u32 $0xF7A, s1;
	s8 =	simm.s32 @!p0 $0x1BF5;
	p2 =	por !p2, p0  }
0x20: {  	[sflag:s8] =	ssyncset.s32 @!p0 $0xFFFFF086;
	s6 =	sadd.s32 @!p0 s3, s7;
	s7 =	simm.s32 @!p0 $0x108  }
0x21: {  	s3 =	sadd.s32 s3, s9;
	s6 =	sadd.s32 @!p0 $0x88, s6;
	s7 =	simm.s32 @p2 $0x1082  }
0x22: {  	[simem:s7], [sflag:s8] =	dma.local @!p0 [hbm:s6], $0xF7A  }
0x23: {  	s9 =	sor.u32 $0xD0000000, s2;
	s6 =	simm.s32 $0x108;
	_ =	swait.ge @!p0 [sflag:s8], $0x0  }
0x24: {  	s3 =	sadd.s32 $0x88, s3;
	s6 =	simm.s32 @!p1 $0x1082;
	[sflag:s4] =	ssyncset.s32 $0xFFFFF086  }
0x25: {  	[simem:s6], [sflag:s4] =	dma.local [hbm:s3], $0xF7A  }
0x26: {  	[smem:$0x3F9E] =	sst s1;
	(tag) =	ssettag s2;
	_ =	strace s9  }
0x27: {  	s1 =	sld [smem:$0x3FAE]  }
0x28: {  	s2 =	sld [smem:$0x3FAF]  }
0x29: {  	s4 =	sld [smem:$0x3FB1]  }
0x2a: {  	p0 =	seq.s32 s5, $0x0;
	s5 =	sld [smem:$0x3FB2]  }
0x2b: {  	s6 =	sld [smem:$0x3FB3]  }
0x2c: {  	s7 =	sld [smem:$0x3FB4]  }
0x2d: {  	s3 =	simm.s32 $0x108;
	s8 =	sld [smem:$0x3FB5]  }
0x2e: {  	s3 =	simm.s32 @!p0 $0x1082;
	s9 =	sld [smem:$0x3FB6]  }
0x2f: {  	lr =	sadd.s32 s0, s3;
	s0 =	sld [smem:$0x3FAD]  }
0x30: {  	s3 =	sld [smem:$0x3FB0]  }
0x31: {  	[smem:$0x3FB9] =	sst s10  }
0x32: {  	s10 =	sld [smem:$0x3FB7];
	_ =	sdelay $0x3  }
0x33: {  	p0 =	seq.s32 s10, $0x1;
	s10 =	sld [smem:$0x3FB9];
	_ =	sdelay $0x3  }
0x34: {  	[smem:$0x3FB9] =	sst s10  }
0x35: {  	s10 =	sld [smem:$0x3FB8];
	_ =	sdelay $0x3  }
0x36: {  	p1 =	seq.s32 s10, $0x1;
	s10 =	sld [smem:$0x3FB9];
	_ =	sdelay $0x3  }
0x37: {  	[smem:$0x3FB9] =	sst s10  }
0x38: {  	s10 =	sld [smem:$0x3FBA]  }
0x39: {  	_ = 	snop;
	(pc) =	sbr.ind lr, $3  }
0x3a: {  	_ = 	snop  }
0x3b: {  	_ = 	snop  }
0x3c: {  	p2 =	seq.s32 s10, $0x1;
	s10 =	sld [smem:$0x3FB9]  }
0x3d: {  	_ =	shalt  }
0x3e: {  	_ =	shalt  }
0x3f: {  	_ =	shalt  }
0x40: {  	_ =	shalt  }
0x41: {  	_ =	shalt  }
0x42: {  	_ =	shalt  }
0x43: {  	_ =	shalt  }
0x44: {  	_ =	shalt  }
0x45: {  	_ =	shalt  }
0x46: {  	_ =	shalt  }
0x47: {  	_ =	shalt  }
0x48: {  	_ =	shalt  }
0x49: {  	_ =	shalt  }
0x4a: {  	_ =	shalt  }
0x4b: {  	_ =	shalt  }
0x4c: {  	_ =	shalt  }
0x4d: {  	_ =	shalt  }
0x4e: {  	_ =	shalt  }
0x4f: {  	_ =	shalt  }
0x50: {  	_ =	shalt  }
0x51: {  	_ =	shalt  }
0x52: {  	_ =	shalt  }
0x53: {  	_ =	shalt  }
0x54: {  	_ =	shalt  }
0x55: {  	_ =	shalt  }
0x56: {  	_ =	shalt  }
0x57: {  	_ =	shalt  }
0x58: {  	_ =	shalt  }
0x59: {  	_ =	shalt  }
0x5a: {  	_ =	shalt  }
0x5b: {  	_ =	shalt  }
0x5c: {  	_ =	shalt  }
0x5d: {  	_ =	shalt  }
0x5e: {  	_ =	shalt  }
0x5f: {  	_ =	shalt  }
0x60: {  	_ =	shalt  }
0x61: {  	_ =	shalt  }
0x62: {  	_ =	shalt  }
0x63: {  	_ =	shalt  }
0x64: {  	_ =	shalt  }
0x65: {  	_ =	shalt  }
0x66: {  	_ =	shalt  }
0x67: {  	_ =	shalt  }
0x68: {  	_ =	shalt  }
0x69: {  	_ =	shalt  }
0x6a: {  	_ =	shalt  }
0x6b: {  	_ =	shalt  }
0x6c: {  	_ =	shalt  }
0x6d: {  	_ =	shalt  }
0x6e: {  	_ =	shalt  }
0x6f: {  	_ =	shalt  }
0x70: {  	_ =	shalt  }
0x71: {  	_ =	shalt  }
0x72: {  	_ =	shalt  }
0x73: {  	_ =	shalt  }
0x74: {  	_ =	shalt  }
0x75: {  	_ =	shalt  }
0x76: {  	_ =	shalt  }
0x77: {  	_ =	shalt  }
0x78: {  	_ =	shalt  }
0x79: {  	_ =	shalt  }
0x7a: {  	_ =	shalt  }
0x7b: {  	_ =	shalt  }
0x7c: {  	_ =	shalt  }
0x7d: {  	_ =	shalt  }
0x7e: {  	_ =	shalt  }
0x7f: {  	_ =	shalt  }
0x80: {  	_ =	shalt  }
0x81: {  	_ =	shalt  }
0x82: {  	_ =	shalt  }
0x83: {  	_ =	shalt  }
0x84: {  	_ =	shalt  }
0x85: {  	_ =	shalt  }
0x86: {  	_ =	shalt  }
0x87: {  	_ =	shalt  }
.Lfunc_end0:
.L_simem_size_0:
called_computation.1_lowered:
.L_overlay_start_0:
0x88: {  	s2 =	sld [smem:$0x3FD9]  }
0x89: {  	s3 =	sld [smem:$0x3FFE];
	_ =	sdelay $0x1  }
0x8a: {  	s1 =	srdreg.scid  }
0x8b: {  	s0 =	sand.u32 $0x1, s1  }
0x8c: {  	s17 =	sshll.u32 s0, $0xA;
	s2 =	sadd.s32 s3, s2  }
0x8d: {  	s2 =	sadd.s32 s2, s17  }
0x8e: {  	[smem:$0x3FC5] =	sst s2  }
0x8f: {  	_ = 	snop  }
0x90: {  	s2 =	sld [smem:$0x3FD0];
	(tm) =	ssettm $0x1  }
0x91: {  	s18 =	sld [smem:$0x3FFB];
	_ =	sdelay $0x3  }
0x92: {  	_ =	strace s18  }
0x93: {  	s3 =	sld [smem:$0x3FFC];
	_ =	sdelay $0x3  }
0x94: {  	_ =	strace s3  }
0x95: {  	s3 =	sld [smem:$0x3FFD];
	_ =	sdelay $0x3  }
0x96: {  	_ =	strace s3  }
0x97: {  	_ =	strace $0x8FFFFFFF  }
0x98: {  	s19 =	sld [smem:$0x3FDB];
	_ =	sdelay $0x1  }
0x99: {  	s4 =	simm.s32 $_scs_section_size  }
0x9a: {  	s5 =	simm.s32 $_size__tile_overlayer_lowered;
	s6 =	simm.s32 $_tile_overlayer_lowered  }
0x9b: {  	s22 =	simm.s32 $0x1BFF;
	s21 =	sshll.u32 s6, $0x1;
	s3 =	sadd.s32 s4, s19  }
0x9c: {  	s7 =	simm.s32 $0x0;
	s20 =	sshll.u32 s5, $0x1;
	s5 =	sadd.s32 s21, s3  }
0x9d: {  	[timem:s7], [sflag:s22] =	dma.local [hbm:s5], s20  }
0x9e: {  	_ =	swait.ge [sflag:s22], s20  }
0x9f: {  	s4 =	ssub.s32 $0x0, s20;
	[sflag:s22] =	ssyncset.done $0x0  }
0xa0: {  	[sflag:s22] =	ssyncadd.s32 s4;
	_ =	sdelay $0x1  }
0xa1: {  	s23 =	simm.s32 $0x1B8B  }
0xa2: {  	_ =	swait.ge [sflag:s23], $0x1  }
0xa3: {  	[sflag:s23] =	ssyncset.done $0x0  }
0xa4: {  	s25 =	simm.s32 $0x1B8E;
	s24 =	sld [smem:$0x3FFE];
	[sflag:s23] =	ssyncadd.s32 $0xFFFFFFFF  }
0xa5: {  	s26 =	simm.s32 $execute0_lowered;
	[smem:$0x3FD2] =	sst s25  }
0xa6: {  	s5 =	sshll.u32 s26, $0x1;
	_ =	strace $0x80000046;
	[dreg:$0x1] =	wrdreg $0xFFFFFFFF  }
0xa7: {  	s28 =	simm.s32 $_size_execute0_lowered;
	s3 =	sadd.s32 s3, s5;
	[dreg:$0x0] =	wrdreg $0x0  }
0xa8: {  	s5 =	sshll.u32 s28, $0x1;
	[dreg:$0x2] =	wrdreg s3  }
0xa9: {  	[dreg:$0x3] =	wrdreg s5  }
0xaa: {  	[dreg:$0x4] =	wrdreg $0xC0  }
0xab: {  	_ =	task [dreg:s7], $0x5FFFF  }
0xac: {  	[dreg:$0x1] =	wrdreg $0xFFFFFFFF  }
0xad: {  	[dreg:$0x0] =	wrdreg $0x60  }
0xae: {  	[dreg:$0x2] =	wrdreg s24  }
0xaf: {  	[dreg:$0x3] =	wrdreg s2  }
0xb0: {  	[dreg:$0x4] =	wrdreg $0xA  }
0xb1: {  	_ =	task.clear_ibuf [dreg:s7], $0x5FFFF;
	_ =	strace $0x90000046  }
0xb2: {  	s29 =	simm.s32 $0xA;
	_ =	strace $0x80000048  }
0xb3: {  	_ =	swait.ge [sflag:s29], $0x1  }
0xb4: {  	[sflag:s29] =	ssyncadd.s32 $0xFFFFFFFF  }
0xb5: {  	_ =	strace $0x90000048  }
0xb6: {  	_ =	sfence  }
0xb7: {  	s30 =	sld [smem:$0x0];
	_ =	sdelay $0x2  }
0xb8: {  	s31 =	sshll.u32 s1, $0xD;
	s1 =	sshrl.u32 s1, $0x2  }
0xb9: {  	s3 =	sand.u32 $0x4000, s31;
	s1 =	sadd.s32 s1, s30  }
0xba: {  	s0 =	sor.u32 s3, s0;
	s1 =	sshll.u32 s1, $0x11  }
0xbb: {  	s0 =	sor.u32 s1, s0  }
0xbc: {  	s0 =	sadd.s32 $0x8F2B, s0  }
0xbd: {  	[sflag:s0] =	ssyncadd.remote.s32 $0x1  }
0xbe: {  	_ =	sfence.sel $0xFFFF  }
0xbf: {  	[dreg:$0x0] =	wrdreg $0xFFFFFFFF;
	(pc) =	sbr.abs _section_cstart, $3  }
0xc0: {  	[dreg:$0x1] =	wrdreg $0xFFFFFFFF  }
0xc1: {  	_ =	task.clear_ibuf [dreg:s7], $0x2FFFF;
	_ =	strace $0x9FFFFFFF  }
0xc2: {  	(tm) =	ssettm $0x7FFFFFFF  }
0xc3: {  	_ =	shalt  }
tec
execute0_lowered:
.L_overlay_start_1:
0x0: {  	(tag) =	ssettag $0x1  }
0x1: {  	s0 =	srdreg.scid  }
0x2: {  	s1 =	sshll.u32 s0, $0x4  }
0x3: {  	s0 =	stileid.u32;
	s1 =	sand.u32 $0x10, s1  }
0x4: {  	s2 =	sor.u32 s0, s1  }
0x5: {  	s1 =	smin.u32 s2, $0x1C  }
0x6: {  	s1 =	sadd.s32 s2, s1  }
0x7: {  	p0 =	slt.u32 s2, $0x1C;
	s2 =	simm.s32 $0x190;
	s1 =	smul.u32 $0xC8, s1  }
0x8: {  	s2 =	simm.s32 @!p0 $0xC8  }
0x9: {  	s2 =	sadd.s32 s2, s1  }
0xa: {  	s3 =	smin.u32 s2, $0x2EE0  }
0xb: {  	s7 =	ssub.s32 s3, s1  }
0xc: {  	p0 =	sgt.s32 s7, $0x0  }
0xd: {  	s7 =	simm.s32 @!p0 $0x0  }
0xe: {  	s31 =	sand.u32 $0xFFF8, s7  }
0xf: {  	s2 =	sshrl.u32 s31, $0x3  }
0x10: {  	s4 =	rddreg [dreg:$0x0];
	s2 =	smul.u32 $0x147B, s2  }
0x11: {  	s5 =	rddreg [dreg:$0x1]  }
0x12: {  	s6 =	simm.s32 $0x1;
	s10 =	simm.s32 $0x3;
	s8 =	sshrl.u32 s2, $0x11  }
0x13: {  	s13 =	simm.s32 $0x0;
	s12 =	simm.s32 $0x0;
	s9 =	smul.u32 $0xC8, s8  }
.Ltmp0:
0x14: {  	s11 =	smov.u32 s1;
	s2 =	rddreg [dreg:$0x2];
	(pc) =	sbr.rel .LBB2_1-.Ltmp0, $4  }
0x15: {  	_ =	strace $0x80000047;
	p0 =	sne.s32 s7, s9;
	s9 =	simm.s32 $0x1  }
0x16: {  	[sflag:s6] =	ssyncpa.u1 $0x0;
	s7 =	simm.s32 $0x2;
	s9 =	simm.s32 @!p0 $0x0  }
0x17: {  	[sflag:s7] =	ssyncpa.u1 $0x0;
	p0 =	por $0x0, $0x0;
	s8 =	sadd.s32 s8, s9  }
0x18: {  	v0 =	vimm.s32 $0x0;
	vm0 =	vmmov $0xff;
	vm1 =	vcmask $0x3F20;
	s9 =	sadd.s32 $0x9C400, s4;
	[sflag:s10] =	ssyncpa.u1 $0x0;
	s10 =	sadd.s32 $0x1, s8  }
.LBB2_6:
0x19: {  	[hbm:s17] =	stream.linear.scatter [tilespmem:s14], [sflag:$0x3], $0x400, $0x38;
	[tilespmem:$0xC990] =	vst v63  }
.LBB2_7:
0x1a: {  	s13 =	sadd.s32 $0xC8, s11  }
0x1b: {  	s15 =	smov.u32 s1;
	p2 =	slt.s32 s13, s3  }
0x1c: {  	s15 =	smov.u32 @p2 s13;
	p2 =	sne.s32 s12, s10  }
.Ltmp1:
0x1d: {  	p1 =	slt.u32 s12, $0x2;
	(pc) =	sbr.rel @!p2 .LBB2_8-.Ltmp1, $4  }
0x1e: {  	s14 =	simm.s32 @!p1 $0x3  }
0x1f: {  	s16 =	sadd.s32 $0x1, s12;
	_ =	swait.ge @!p1 [sflag:s14], $0x6400  }
0x20: {  	p0 =	por !p0, !p0;
	s13 =	smov.u32 s11;
	[sflag:s14] =	ssyncset.done @!p1 $0x0  }
0x21: {  	s12 =	smov.u32 s16;
	s11 =	smov.u32 s15;
	[sflag:s14] =	ssyncadd.s32 @!p1 $0xFFFF9C00  }
.LBB2_1:
0x22: {  	p1 =	sge.u32 s12, s8  }
0x23: {  	s14 =	sxor.u32 @!p1 $0xFFFFFFFF, s12  }
0x24: {  	s14 =	sand.u32 @!p1 $0x1, s14  }
0x25: {  	s14 =	smul.u32 @!p1 $0x320, s14  }
0x26: {  	s31 =	sadd.s32 $0xFFFFFFFF, s12;
	s15 =	sshrl.u32 @!p1 s11, $0x3  }
0x27: {  	s16 =	sand.u32 @!p1 $0x7, s11;
	s15 =	sadd.s32 @!p1 s5, s15;
	s14 =	sshrl.u32 @!p1 s14, $0x2  }
0x28: {  	[tilespmem:s14], [sflag:$0x2] =	stream.linear.gather @!p1 [hbm4b:s15+s16], $0xC8, $0x38;
	[tilespmem:$0xC990] =	vst v63  }
0x29: {  	p1 =	sge.u32 s31, s8  }
.Ltmp2:
0x2a: {  	_ = 	snop;
	(pc) =	sbr.rel @p1 .LBB2_7-.Ltmp2, $1  }
0x2b: {  	_ =	sdelay $0x3  }
0x2c: {  	s14 =	simm.s32 $0x1  }
0x2d: {  	s14 =	simm.s32 @!p0 $0x0  }
0x2e: {  	s15 =	smul.u32 $0x320, s14  }
0x2f: {  	_ =	swait.ge [sflag:s7], $0xC8  }
0x30: {  	[sflag:s7] =	ssyncset.done $0x0;
	s17 =	sshrl.u32 s15, $0x2  }
0x31: {  	[sflag:s7] =	ssyncadd.s32 $0xFFFFFF38;
	s15 =	sadd.s32 $0x0, s17  }
0x32: {  	v1 =	vld.msk [tilespmem:s15+$0x0 ss:$0x1], $0xffff;
	_ =	sdelay $0x4  }
0x33: {  	v2 =	vand.u32 $0x1, v1;
	v3 =	vshll.u32 v1, $0x6  }
0x34: {  	vm2 =	veq.s32 v1, $0x80000000;
	vm3 =	veq.s32 v2, $0x1;
	v1 =	vand.u32 $0x3FFF80, v3  }
0x35: {  	v2 =	vsel vm3, $0x271000, v0;
	v1 =	vsel vm2, $0xFFFFFF80, v1  }
0x36: {  	v2 =	vsel vm2, $0xFFD8F000, v2;
	v3 =	vand.u32 $0xFFFFFC00, v1  }
0x37: {  	v1 =	vand.u32 $0x380, v1;
	v2 =	vadd.s32 v2, v3  }
0x38: {  	v1 =	vor.u32 v1, v2  }
0x39: {  	v1 =	vshrl.u32 v1, $0x3  }
0x3a: {  	s14 =	smul.u32 $0x19000, s14  }
0x3b: {  	s31 =	sand.u32 $0x1, s12  }
0x3c: {  	s16 =	smul.u32 $0x320, s31;
	s14 =	sshrl.u32 s14, $0x2  }
0x3d: {  	s19 =	smul.u32 $0x19000, s31;
	s14 =	sor.u32 $0x190, s14  }
0x3e: {  	[tilespmem:s14], [sflag:$0x1] =	stream.indirect_vreg.gather [hbm:s4], $0x80, v1, vm0, $0x38;
	[tilespmem:$0xC990] =	vst v63  }
0x3f: {  	s18 =	sshrl.u32 s16, $0x2;
	s20 =	sadd.s32 $0x10, s17;
	s15 =	sadd.s32 $0x400, s14  }
0x40: {  	[tilespmem:s15], [sflag:$0x1] =	stream.indirect_vreg.gather [hbm:s4], $0x80, v1, vm1, $0x38;
	[tilespmem:$0xC990] =	vst v63  }
0x41: {  	s16 =	sshrl.u32 s19, $0x2;
	s19 =	smov.u32 s14;
	v1 =	vld.msk [tilespmem:s20+$0x0 ss:$0x1], $0xffff;
	s20 =	simm.s32 $0x80  }
.LBB2_3:
0x42: {  	p1 =	sne.s32 s20, $0x2C0;
	_ =	sdelay $0x4  }
0x43: {  	v2 =	vand.u32 $0x1, v1;
	v3 =	vshll.u32 v1, $0x6  }
0x44: {  	vm2 =	veq.s32 v1, $0x80000000;
	vm3 =	veq.s32 v2, $0x1;
	v1 =	vand.u32 $0x3FFF80, v3  }
0x45: {  	v2 =	vsel vm3, $0x271000, v0;
	v1 =	vsel vm2, $0xFFFFFF80, v1  }
0x46: {  	v2 =	vsel vm2, $0xFFD8F000, v2;
	v3 =	vand.u32 $0xFFFFFC00, v1  }
0x47: {  	v1 =	vand.u32 $0x380, v1;
	v2 =	vadd.s32 v2, v3  }
0x48: {  	v1 =	vor.u32 v1, v2  }
0x49: {  	v1 =	vshrl.u32 v1, $0x3;
	_ =	sdelay $0x3  }
.Ltmp3:
0x4a: {  	s21 =	sshra.s32 s20, $0x2;
	s19 =	sadd.s32 $0x800, s19;
	(pc) =	sbr.rel @p1 .LBB2_3-.Ltmp3, $4  }
0x4b: {  	[tilespmem:s19], [sflag:$0x1] =	stream.indirect_vreg.gather [hbm:s4], $0x80, v1, vm0, $0x38;
	[tilespmem:$0xC990] =	vst v63  }
0x4c: {  	s21 =	sadd.s32 s21, s17;
	s22 =	sadd.s32 $0x400, s19  }
0x4d: {  	[tilespmem:s22], [sflag:$0x1] =	stream.indirect_vreg.gather [hbm:s4], $0x80, v1, vm1, $0x38;
	[tilespmem:$0xC990] =	vst v63  }
0x4e: {  	s20 =	sadd.s32 $0x40, s20;
	v1 =	vld.msk [tilespmem:s21+$0x0 ss:$0x1], $0xffff  }
0x4f: {  	_ =	sdelay $0x3  }
0x50: {  	v2 =	vand.u32 $0x1, v1;
	v3 =	vshll.u32 v1, $0x6  }
0x51: {  	vm2 =	veq.s32 v1, $0x80000000;
	vm3 =	veq.s32 v2, $0x1;
	v1 =	vand.u32 $0x3FFF80, v3  }
0x52: {  	v2 =	vsel vm3, $0x271000, v0;
	v1 =	vsel vm2, $0xFFFFFF80, v1  }
0x53: {  	v2 =	vsel vm2, $0xFFD8F000, v2;
	v3 =	vand.u32 $0xFFFFFC00, v1  }
0x54: {  	v1 =	vand.u32 $0x380, v1;
	v2 =	vadd.s32 v2, v3  }
0x55: {  	v1 =	vor.u32 v1, v2  }
0x56: {  	v1 =	vshrl.u32 v1, $0x3;
	_ =	sdelay $0x3  }
0x57: {  	s17 =	sadd.s32 $0x800, s19  }
0x58: {  	[tilespmem:s17], [sflag:$0x1] =	stream.indirect_vreg.gather [hbm:s4], $0x80, v1, vm0, $0x38;
	[tilespmem:$0xC990] =	vst v63  }
0x59: {  	s17 =	sadd.s32 $0x400, s17  }
0x5a: {  	[tilespmem:s17], [sflag:$0x1] =	stream.indirect_vreg.gather [hbm:s4], $0x80, v1, vm1, $0x38;
	[tilespmem:$0xC990] =	vst v63  }
0x5b: {  	v1 =	vld.msk [tilespmem:s18+$0xC0 ss:$0x1], $0xff;
	_ =	sdelay $0x4  }
0x5c: {  	v2 =	vand.u32 $0x1, v1;
	v3 =	vshll.u32 v1, $0x6  }
0x5d: {  	vm2 =	veq.s32 v1, $0x80000000;
	vm3 =	veq.s32 v2, $0x1;
	v1 =	vand.u32 $0x3FFF80, v3  }
0x5e: {  	v2 =	vsel vm3, $0x271000, v0;
	v1 =	vsel vm2, $0xFFFFFF80, v1  }
0x5f: {  	v2 =	vsel vm2, $0xFFD8F000, v2;
	v3 =	vand.u32 $0xFFFFFC00, v1  }
0x60: {  	v1 =	vand.u32 $0x380, v1;
	v2 =	vadd.s32 v2, v3  }
0x61: {  	v1 =	vor.u32 v1, v2  }
0x62: {  	v1 =	vshrl.u32 v1, $0x3;
	_ =	sdelay $0x3  }
0x63: {  	s16 =	sadd.s32 $0x6190, s16  }
0x64: {  	[tilespmem:s16], [sflag:$0x1] =	stream.indirect_vreg.gather [hbm:s4], $0x80, v1, vm0, $0x38;
	[tilespmem:$0xC990] =	vst v63  }
0x65: {  	s13 =	sshll.u32 s13, $0x4;
	_ =	swait.ge [sflag:s6], $0x6400  }
0x66: {  	s13 =	sadd.s32 s13, s9;
	[sflag:s6] =	ssyncset.done $0x0  }
0x67: {  	s17 =	sadd.s32 $0x0, s13;
	s16 =	simm.s32 $0x80;
	[sflag:s6] =	ssyncadd.s32 $0xFFFF9C00  }
.LBB2_5:
0x68: {  	[hbm:s17] =	stream.linear.scatter [tilespmem:s14], [sflag:$0x3], $0x400, $0x38;
	[tilespmem:$0xC990] =	vst v63  }
0x69: {  	s17 =	smov.u32 s16;
	s14 =	smov.u32 s15;
	p1 =	sne.s32 s16, $0xC00  }
.Ltmp4:
0x6a: {  	s16 =	sadd.s32 $0x80, s16;
	(pc) =	sbr.rel @p1 .LBB2_5-.Ltmp4, $2  }
0x6b: {  	_ =	sdelay $0x2  }
0x6c: {  	s15 =	sadd.s32 $0x400, s15;
	s17 =	sadd.s32 s17, s13  }
.Ltmp5:
0x6d: {  	_ = 	snop;
	(pc) =	sbr.rel .LBB2_6-.Ltmp5, $1  }
0x6e: {  	_ =	sdelay $0x3  }
.LBB2_8:
0x6f: {  	_ =	sfence.sel $0x180000  }
0x70: {  	s1 =	simm.s32 $0x2;
	[bflag:$0x0] =	sbarrier.arrive $0xFFFF  }
0x71: {  	s30 =	simm.s32 $0x3;
	[sflag:s1] =	ssyncpa.u1 $0x1  }
0x72: {  	s31 =	simm.s32 $0x1;
	[sflag:s30] =	ssyncpa.u1 $0x1  }
0x73: {  	[sflag:s31] =	ssyncpa.u1 $0x1  }
0x74: {  	p0 =	sne.s32 s0, $0x0;
	_ =	strace $0x90000047  }
0x75: {  	s0 =	sadd.s32 @!p0 $0x100000, s2;
	[bflag:$0x2] =	sbarrier.arrive $0xFFFF  }
0x76: {  	[sflag:s0] =	ssyncadd.tile.s32 @!p0 $0x1;
	_ =	shalt  }
.Lfunc_end2:
_tile_overlayer_lowered:
.L_overlay_start_2:
0x77: {  	(tag) =	ssettag $0x2  }
0x78: {  	s0 =	rddreg [dreg:$0x0];
	s2 =	stileid.u32  }
0x79: {  	s1 =	rddreg [dreg:$0x1];
	p0 =	sne.s32 s2, $0x0  }
0x7a: {  	s3 =	rddreg [dreg:$0x2];
	[bflag:$0x3] =	sbarrier.arrive $0xFFFF;
	s2 =	simm.s32 @!p0 $0x1C01  }
0x7b: {  	[timem:s3], [sflag:s2] =	dma.local @!p0 [hbm:s0], s1  }
0x7c: {  	s0 =	simm.s32 @!p0 $0x1  }
0x7d: {  	_ =	swait.ge @!p0 [sflag:s0], s1  }
0x7e: {  	s1 =	ssub.s32 @!p0 $0x0, s1;
	[sflag:s0] =	ssyncset.done @!p0 $0x0  }
0x7f: {  	[sflag:s0] =	ssyncadd.s32 @!p0 s1  }
0x80: {  	[bflag:$0x3] =	sbarrier.arrive $0xFFFF  }
0x81: {  	_ =	shalt  }

// kernel: gather_offload_async_start
scs
__scs_entry_jumppad:
0x0: {  	(pc) =	sbr.rel $0x88, $3  }
0x1: {  	(tag) =	ssettag $0x0;
	lr =	simm.s32 $0x1  }
0x2: {  	[smem:$0x3F9E] =	sst lr;
	_ =	strace $0xD0000000  }
0x3: {  	_ = 	snop  }
0x4: {  	_ = 	snop  }
0x5: {  	_ = 	snop  }
0x6: {  	_ = 	snop  }
0x7: {  	_ = 	snop  }
__scs_overlays_trampoline_lowered:
0x8: {  	[smem:$0x3FAD] =	sst s0  }
0x9: {  	[smem:$0x3FAE] =	sst s1  }
0xa: {  	[smem:$0x3FAF] =	sst s2  }
0xb: {  	[smem:$0x3FB0] =	sst s3  }
0xc: {  	[smem:$0x3FB1] =	sst s4  }
0xd: {  	[smem:$0x3FB2] =	sst s5  }
0xe: {  	[smem:$0x3FB3] =	sst s6  }
0xf: {  	[smem:$0x3FB4] =	sst s7  }
0x10: {  	[smem:$0x3FB5] =	sst s8  }
0x11: {  	[smem:$0x3FB6] =	sst s9;
	s0 =	simm.s32 @!p0 $0x0  }
0x12: {  	s1 =	sld [smem:$0x3F9C];
	s0 =	simm.s32 @p0 $0x1  }
0x13: {  	[smem:$0x3FB7] =	sst s0;
	s0 =	simm.s32 @!p1 $0x0  }
0x14: {  	s2 =	sld [smem:$0x3F9B];
	s0 =	simm.s32 @p1 $0x1  }
0x15: {  	[smem:$0x3FB8] =	sst s0;
	s0 =	simm.s32 @!p2 $0x0  }
0x16: {  	s3 =	sld [smem:$0x3FDB];
	s0 =	simm.s32 @p2 $0x1  }
0x17: {  	s4 =	simm.s32 $0x1BF5;
	[smem:$0x3FBA] =	sst s0  }
0x18: {  	s0 =	sld [smem:$0x3F9D];
	_ =	swait.ge [sflag:s4], $0x0  }
0x19: {  	s7 =	sld [smem:$0x3F9E]  }
0x1a: {  	s8 =	sadd.s32 $0xFFFFE003, lr  }
0x1b: {  	s9 =	sadd.s32 $0xFFFFFEF7, lr;
	s5 =	simm.s32 $0xFFFFFFFF;
	p2 =	slt.u32 s8, $0xFFFFF086  }
0x1c: {  	p1 =	slt.u32 s9, $0xF7A;
	s5 =	simm.s32 @!p2 $0x0  }
0x1d: {  	s5 =	simm.s32 @p1 $0x1;
	p0 =	seq.s32 s7, s2  }
0x1e: {  	s7 =	smul.u32 @!p0 $0xF7A, s2;
	p2 =	seq.s32 @!p0 s5, $0x0  }
0x1f: {  	s9 =	smul.u32 $0xF7A, s1;
	s8 =	simm.s32 @!p0 $0x1BF5;
	p2 =	por !p2, p0  }
0x20: {  	[sflag:s8] =	ssyncset.s32 @!p0 $0xFFFFF086;
	s6 =	sadd.s32 @!p0 s3, s7;
	s7 =	simm.s32 @!p0 $0x108  }
0x21: {  	s3 =	sadd.s32 s3, s9;
	s6 =	sadd.s32 @!p0 $0x88, s6;
	s7 =	simm.s32 @p2 $0x1082  }
0x22: {  	[simem:s7], [sflag:s8] =	dma.local @!p0 [hbm:s6], $0xF7A  }
0x23: {  	s9 =	sor.u32 $0xD0000000, s2;
	s6 =	simm.s32 $0x108;
	_ =	swait.ge @!p0 [sflag:s8], $0x0  }
0x24: {  	s3 =	sadd.s32 $0x88, s3;
	s6 =	simm.s32 @!p1 $0x1082;
	[sflag:s4] =	ssyncset.s32 $0xFFFFF086  }
0x25: {  	[simem:s6], [sflag:s4] =	dma.local [hbm:s3], $0xF7A  }
0x26: {  	[smem:$0x3F9E] =	sst s1;
	(tag) =	ssettag s2;
	_ =	strace s9  }
0x27: {  	s1 =	sld [smem:$0x3FAE]  }
0x28: {  	s2 =	sld [smem:$0x3FAF]  }
0x29: {  	s4 =	sld [smem:$0x3FB1]  }
0x2a: {  	p0 =	seq.s32 s5, $0x0;
	s5 =	sld [smem:$0x3FB2]  }
0x2b: {  	s6 =	sld [smem:$0x3FB3]  }
0x2c: {  	s7 =	sld [smem:$0x3FB4]  }
0x2d: {  	s3 =	simm.s32 $0x108;
	s8 =	sld [smem:$0x3FB5]  }
0x2e: {  	s3 =	simm.s32 @!p0 $0x1082;
	s9 =	sld [smem:$0x3FB6]  }
0x2f: {  	lr =	sadd.s32 s0, s3;
	s0 =	sld [smem:$0x3FAD]  }
0x30: {  	s3 =	sld [smem:$0x3FB0]  }
0x31: {  	[smem:$0x3FB9] =	sst s10  }
0x32: {  	s10 =	sld [smem:$0x3FB7];
	_ =	sdelay $0x3  }
0x33: {  	p0 =	seq.s32 s10, $0x1;
	s10 =	sld [smem:$0x3FB9];
	_ =	sdelay $0x3  }
0x34: {  	[smem:$0x3FB9] =	sst s10  }
0x35: {  	s10 =	sld [smem:$0x3FB8];
	_ =	sdelay $0x3  }
0x36: {  	p1 =	seq.s32 s10, $0x1;
	s10 =	sld [smem:$0x3FB9];
	_ =	sdelay $0x3  }
0x37: {  	[smem:$0x3FB9] =	sst s10  }
0x38: {  	s10 =	sld [smem:$0x3FBA]  }
0x39: {  	_ = 	snop;
	(pc) =	sbr.ind lr, $3  }
0x3a: {  	_ = 	snop  }
0x3b: {  	_ = 	snop  }
0x3c: {  	p2 =	seq.s32 s10, $0x1;
	s10 =	sld [smem:$0x3FB9]  }
0x3d: {  	_ =	shalt  }
0x3e: {  	_ =	shalt  }
0x3f: {  	_ =	shalt  }
0x40: {  	_ =	shalt  }
0x41: {  	_ =	shalt  }
0x42: {  	_ =	shalt  }
0x43: {  	_ =	shalt  }
0x44: {  	_ =	shalt  }
0x45: {  	_ =	shalt  }
0x46: {  	_ =	shalt  }
0x47: {  	_ =	shalt  }
0x48: {  	_ =	shalt  }
0x49: {  	_ =	shalt  }
0x4a: {  	_ =	shalt  }
0x4b: {  	_ =	shalt  }
0x4c: {  	_ =	shalt  }
0x4d: {  	_ =	shalt  }
0x4e: {  	_ =	shalt  }
0x4f: {  	_ =	shalt  }
0x50: {  	_ =	shalt  }
0x51: {  	_ =	shalt  }
0x52: {  	_ =	shalt  }
0x53: {  	_ =	shalt  }
0x54: {  	_ =	shalt  }
0x55: {  	_ =	shalt  }
0x56: {  	_ =	shalt  }
0x57: {  	_ =	shalt  }
0x58: {  	_ =	shalt  }
0x59: {  	_ =	shalt  }
0x5a: {  	_ =	shalt  }
0x5b: {  	_ =	shalt  }
0x5c: {  	_ =	shalt  }
0x5d: {  	_ =	shalt  }
0x5e: {  	_ =	shalt  }
0x5f: {  	_ =	shalt  }
0x60: {  	_ =	shalt  }
0x61: {  	_ =	shalt  }
0x62: {  	_ =	shalt  }
0x63: {  	_ =	shalt  }
0x64: {  	_ =	shalt  }
0x65: {  	_ =	shalt  }
0x66: {  	_ =	shalt  }
0x67: {  	_ =	shalt  }
0x68: {  	_ =	shalt  }
0x69: {  	_ =	shalt  }
0x6a: {  	_ =	shalt  }
0x6b: {  	_ =	shalt  }
0x6c: {  	_ =	shalt  }
0x6d: {  	_ =	shalt  }
0x6e: {  	_ =	shalt  }
0x6f: {  	_ =	shalt  }
0x70: {  	_ =	shalt  }
0x71: {  	_ =	shalt  }
0x72: {  	_ =	shalt  }
0x73: {  	_ =	shalt  }
0x74: {  	_ =	shalt  }
0x75: {  	_ =	shalt  }
0x76: {  	_ =	shalt  }
0x77: {  	_ =	shalt  }
0x78: {  	_ =	shalt  }
0x79: {  	_ =	shalt  }
0x7a: {  	_ =	shalt  }
0x7b: {  	_ =	shalt  }
0x7c: {  	_ =	shalt  }
0x7d: {  	_ =	shalt  }
0x7e: {  	_ =	shalt  }
0x7f: {  	_ =	shalt  }
0x80: {  	_ =	shalt  }
0x81: {  	_ =	shalt  }
0x82: {  	_ =	shalt  }
0x83: {  	_ =	shalt  }
0x84: {  	_ =	shalt  }
0x85: {  	_ =	shalt  }
0x86: {  	_ =	shalt  }
0x87: {  	_ =	shalt  }
.Lfunc_end0:
.L_simem_size_0:
called_computation_lowered:
.L_overlay_start_0:
0x88: {  	s2 =	sld [smem:$0x3FD9]  }
0x89: {  	s3 =	sld [smem:$0x3FFE];
	_ =	sdelay $0x1  }
0x8a: {  	s1 =	srdreg.scid  }
0x8b: {  	s0 =	sand.u32 $0x1, s1  }
0x8c: {  	s17 =	sshll.u32 s0, $0xA;
	s2 =	sadd.s32 s3, s2  }
0x8d: {  	s2 =	sadd.s32 s2, s17  }
0x8e: {  	[smem:$0x3FC5] =	sst s2  }
0x8f: {  	_ = 	snop  }
0x90: {  	s18 =	sld [smem:$0x3FD0];
	(tm) =	ssettm $0x1  }
0x91: {  	s19 =	sld [smem:$0x3FFB];
	_ =	sdelay $0x3  }
0x92: {  	_ =	strace s19  }
0x93: {  	s2 =	sld [smem:$0x3FFC];
	_ =	sdelay $0x3  }
0x94: {  	_ =	strace s2  }
0x95: {  	s2 =	sld [smem:$0x3FFD];
	_ =	sdelay $0x3  }
0x96: {  	_ =	strace s2  }
0x97: {  	_ =	strace $0x8FFFFFFF  }
0x98: {  	s20 =	sld [smem:$0x3FDB];
	_ =	sdelay $0x1  }
0x99: {  	s4 =	simm.s32 $_scs_section_size  }
0x9a: {  	s5 =	simm.s32 $_size__tile_overlayer_lowered;
	s6 =	simm.s32 $_tile_overlayer_lowered  }
0x9b: {  	s7 =	simm.s32 $0x1BFF;
	s21 =	sshll.u32 s6, $0x1;
	s4 =	sadd.s32 s4, s20  }
0x9c: {  	s22 =	simm.s32 $0x0;
	s5 =	sshll.u32 s5, $0x1;
	s6 =	sadd.s32 s21, s4  }
0x9d: {  	[timem:s22], [sflag:s7] =	dma.local [hbm:s6], s5  }
0x9e: {  	_ =	swait.ge [sflag:s7], s5  }
0x9f: {  	s5 =	ssub.s32 $0x0, s5;
	[sflag:s7] =	ssyncset.done $0x0  }
0xa0: {  	[sflag:s7] =	ssyncadd.s32 s5;
	_ =	sdelay $0x1  }
0xa1: {  	s23 =	simm.s32 $0x1B8B  }
0xa2: {  	_ =	swait.ge [sflag:s23], $0x1  }
0xa3: {  	[sflag:s23] =	ssyncset.done $0x0  }
0xa4: {  	[sflag:s23] =	ssyncadd.s32 $0xFFFFFFFF  }
0xa5: {  	s5 =	sld [smem:$0x0]  }
0xa6: {  	s6 =	sand.u32 $0xFFFFFFFE, s1  }
0xa7: {  	p0 =	sne.s32 s1, s6  }
0xa8: {  	s6 =	sshll.u32 @p0 s6, $0xE  }
0xa9: {  	s6 =	sadd.s32 @p0 $0x11B8D, s6;
	s7 =	sshll.u32 @p0 s5, $0x11  }
0xaa: {  	s6 =	sor.u32 @p0 s7, s6  }
0xab: {  	[sflag:s6] =	ssyncadd.remote.s32 @p0 $0x1;
	_ =	sdelay $0x1  }
0xac: {  	s6 =	simm.s32 @p0 $0x1B8D  }
0xad: {  	_ =	swait.eq @p0 [sflag:s6], $0x1  }
0xae: {  	[sflag:s6] =	ssyncadd.s32 @p0 $0xFFFFFFFF  }
0xaf: {  	s7 =	sshll.u32 @!p0 s1, $0xE  }
0xb0: {  	s7 =	sor.u32 @!p0 $0x4000, s7;
	s6 =	simm.s32 @!p0 $0x1B8D  }
0xb1: {  	s5 =	sshll.u32 @!p0 s5, $0x11;
	s7 =	sadd.s32 @!p0 $0x11B8D, s7;
	_ =	swait.eq @!p0 [sflag:s6], $0x1  }
0xb2: {  	s5 =	sor.u32 @!p0 s5, s7;
	[sflag:s6] =	ssyncadd.s32 @!p0 $0xFFFFFFFF  }
0xb3: {  	s25 =	simm.s32 $0x1B8E;
	s24 =	sld [smem:$0x3FFE];
	[sflag:s5] =	ssyncadd.remote.s32 @!p0 $0x1  }
0xb4: {  	s26 =	simm.s32 $execute0_lowered;
	[smem:$0x3FD2] =	sst s25  }
0xb5: {  	s6 =	sshll.u32 s26, $0x1;
	_ =	strace $0x80000049;
	[dreg:$0x1] =	wrdreg $0xFFFFFFFF  }
0xb6: {  	s28 =	simm.s32 $_size_execute0_lowered;
	s4 =	sadd.s32 s4, s6;
	[dreg:$0x0] =	wrdreg $0x0  }
0xb7: {  	s6 =	sshll.u32 s28, $0x1;
	[dreg:$0x2] =	wrdreg s4  }
0xb8: {  	[dreg:$0x3] =	wrdreg s6  }
0xb9: {  	[dreg:$0x4] =	wrdreg $0xC0  }
0xba: {  	_ =	task [dreg:s22], $0x5FFFF  }
0xbb: {  	[dreg:$0x1] =	wrdreg $0xFFFFFFFF  }
0xbc: {  	[dreg:$0x0] =	wrdreg $0x60  }
0xbd: {  	[dreg:$0x2] =	wrdreg s24  }
0xbe: {  	[dreg:$0x3] =	wrdreg s18  }
0xbf: {  	[dreg:$0x4] =	wrdreg $0x9  }
0xc0: {  	_ =	task.clear_ibuf [dreg:s22], $0x5FFFF;
	_ =	strace $0x90000049  }
0xc1: {  	s29 =	simm.s32 $0x9;
	_ =	strace $0x8000004B  }
0xc2: {  	_ =	swait.ge [sflag:s29], $0x1  }
0xc3: {  	[sflag:s29] =	ssyncadd.s32 $0xFFFFFFFF  }
0xc4: {  	_ =	strace $0x9000004B  }
0xc5: {  	_ =	sfence  }
0xc6: {  	s30 =	sld [smem:$0x0];
	_ =	sdelay $0x2  }
0xc7: {  	s31 =	sshll.u32 s1, $0xD;
	s1 =	sshrl.u32 s1, $0x2  }
0xc8: {  	s4 =	sand.u32 $0x4000, s31;
	s1 =	sadd.s32 s1, s30  }
0xc9: {  	s0 =	sor.u32 s4, s0;
	s1 =	sshll.u32 s1, $0x11  }
0xca: {  	s0 =	sor.u32 s1, s0  }
0xcb: {  	s0 =	sadd.s32 $0x8F2B, s0  }
0xcc: {  	[sflag:s0] =	ssyncadd.remote.s32 $0x1  }
0xcd: {  	_ =	sfence.sel $0xFFFF  }
0xce: {  	[dreg:$0x0] =	wrdreg $0xFFFFFFFF;
	(pc) =	sbr.abs _section_cstart, $3  }
0xcf: {  	[dreg:$0x1] =	wrdreg $0xFFFFFFFF  }
0xd0: {  	_ =	task.clear_ibuf [dreg:s22], $0x2FFFF;
	_ =	strace $0x9FFFFFFF  }
0xd1: {  	(tm) =	ssettm $0x7FFFFFFF  }
tec
execute0_lowered:
.L_overlay_start_1:
0x0: {  	(tag) =	ssettag $0x1  }
0x1: {  	s0 =	srdreg.scid  }
0x2: {  	s1 =	sshll.u32 s0, $0x4  }
0x3: {  	s0 =	stileid.u32;
	s1 =	sand.u32 $0x10, s1  }
0x4: {  	s2 =	sor.u32 s0, s1  }
0x5: {  	s1 =	smin.u32 s2, $0x1C  }
0x6: {  	s1 =	sadd.s32 s2, s1  }
0x7: {  	p0 =	slt.u32 s2, $0x1C;
	s2 =	simm.s32 $0x190;
	s1 =	smul.u32 $0xC8, s1  }
0x8: {  	s2 =	simm.s32 @!p0 $0xC8  }
0x9: {  	s2 =	sadd.s32 s2, s1  }
0xa: {  	s3 =	smin.u32 s2, $0x2EE0  }
0xb: {  	s7 =	ssub.s32 s3, s1  }
0xc: {  	p0 =	sgt.s32 s7, $0x0  }
0xd: {  	s7 =	simm.s32 @!p0 $0x0  }
0xe: {  	s31 =	sand.u32 $0xFFF8, s7  }
0xf: {  	s2 =	sshrl.u32 s31, $0x3  }
0x10: {  	s9 =	rddreg [dreg:$0x0];
	s2 =	smul.u32 $0x147B, s2  }
0x11: {  	s4 =	rddreg [dreg:$0x1];
	s6 =	simm.s32 $0x1  }
0x12: {  	s11 =	simm.s32 $0x3;
	s13 =	simm.s32 $0x0;
	s8 =	sshrl.u32 s2, $0x11  }
0x13: {  	s12 =	simm.s32 $0x0;
	s5 =	sadd.s32 $0xCB200, s9;
	s10 =	smul.u32 $0xC8, s8  }
.Ltmp0:
0x14: {  	s9 =	sadd.s32 $0x167600, s9;
	s2 =	rddreg [dreg:$0x2];
	(pc) =	sbr.rel .LBB2_1-.Ltmp0, $4  }
0x15: {  	_ =	strace $0x8000004A;
	p0 =	sne.s32 s7, s10;
	s10 =	simm.s32 $0x1  }
0x16: {  	[sflag:s6] =	ssyncpa.u1 $0x0;
	s7 =	simm.s32 $0x2;
	s10 =	simm.s32 @!p0 $0x0  }
0x17: {  	[sflag:s7] =	ssyncpa.u1 $0x0;
	p0 =	por $0x0, $0x0;
	s8 =	sadd.s32 s8, s10  }
0x18: {  	v0 =	vimm.s32 $0x0;
	vm0 =	vmmov $0xff;
	vm1 =	vcmask $0x3F20;
	[sflag:s11] =	ssyncpa.u1 $0x0;
	s11 =	smov.u32 s1;
	s10 =	sadd.s32 $0x1, s8  }
.LBB2_6:
0x19: {  	[hbm:s17] =	stream.linear.scatter [tilespmem:s14], [sflag:$0x3], $0x400, $0x38;
	[tilespmem:$0xC990] =	vst v63  }
.LBB2_7:
0x1a: {  	s13 =	sadd.s32 $0xC8, s11  }
0x1b: {  	s15 =	smov.u32 s1;
	p2 =	slt.s32 s13, s3  }
0x1c: {  	s15 =	smov.u32 @p2 s13;
	p2 =	sne.s32 s12, s10  }
.Ltmp1:
0x1d: {  	p1 =	slt.u32 s12, $0x2;
	(pc) =	sbr.rel @!p2 .LBB2_8-.Ltmp1, $4  }
0x1e: {  	s14 =	simm.s32 @!p1 $0x3  }
0x1f: {  	s16 =	sadd.s32 $0x1, s12;
	_ =	swait.ge @!p1 [sflag:s14], $0x6400  }
0x20: {  	p0 =	por !p0, !p0;
	s13 =	smov.u32 s11;
	[sflag:s14] =	ssyncset.done @!p1 $0x0  }
0x21: {  	s12 =	smov.u32 s16;
	s11 =	smov.u32 s15;
	[sflag:s14] =	ssyncadd.s32 @!p1 $0xFFFF9C00  }
.LBB2_1:
0x22: {  	p1 =	sge.u32 s12, s8  }
0x23: {  	s14 =	sxor.u32 @!p1 $0xFFFFFFFF, s12  }
0x24: {  	s14 =	sand.u32 @!p1 $0x1, s14  }
0x25: {  	s14 =	smul.u32 @!p1 $0x320, s14  }
0x26: {  	s31 =	sadd.s32 $0xFFFFFFFF, s12;
	s15 =	sshrl.u32 @!p1 s11, $0x3  }
0x27: {  	s16 =	sand.u32 @!p1 $0x7, s11;
	s15 =	sadd.s32 @!p1 s4, s15;
	s14 =	sshrl.u32 @!p1 s14, $0x2  }
0x28: {  	[tilespmem:s14], [sflag:$0x2] =	stream.linear.gather @!p1 [hbm4b:s15+s16], $0xC8, $0x38;
	[tilespmem:$0xC990] =	vst v63  }
0x29: {  	p1 =	sge.u32 s31, s8  }
.Ltmp2:
0x2a: {  	_ = 	snop;
	(pc) =	sbr.rel @p1 .LBB2_7-.Ltmp2, $1  }
0x2b: {  	_ =	sdelay $0x3  }
0x2c: {  	s14 =	simm.s32 $0x1  }
0x2d: {  	s14 =	simm.s32 @!p0 $0x0  }
0x2e: {  	s15 =	smul.u32 $0x320, s14  }
0x2f: {  	_ =	swait.ge [sflag:s7], $0xC8  }
0x30: {  	[sflag:s7] =	ssyncset.done $0x0;
	s17 =	sshrl.u32 s15, $0x2  }
0x31: {  	[sflag:s7] =	ssyncadd.s32 $0xFFFFFF38;
	s15 =	sadd.s32 $0x0, s17  }
0x32: {  	v1 =	vld.msk [tilespmem:s15+$0x0 ss:$0x1], $0xffff;
	_ =	sdelay $0x4  }
0x33: {  	v2 =	vand.u32 $0x1, v1;
	v3 =	vshll.u32 v1, $0x6  }
0x34: {  	vm2 =	veq.s32 v1, $0x80000000;
	vm3 =	veq.s32 v2, $0x1;
	v1 =	vand.u32 $0x3FFF80, v3  }
0x35: {  	v2 =	vsel vm3, $0x271000, v0;
	v1 =	vsel vm2, $0xFFFFFF80, v1  }
0x36: {  	v2 =	vsel vm2, $0xFFD8F000, v2;
	v3 =	vand.u32 $0xFFFFFC00, v1  }
0x37: {  	v1 =	vand.u32 $0x380, v1;
	v2 =	vadd.s32 v2, v3  }
0x38: {  	v1 =	vor.u32 v1, v2  }
0x39: {  	v1 =	vshrl.u32 v1, $0x3  }
0x3a: {  	s14 =	smul.u32 $0x19000, s14  }
0x3b: {  	s31 =	sand.u32 $0x1, s12  }
0x3c: {  	s16 =	smul.u32 $0x320, s31;
	s14 =	sshrl.u32 s14, $0x2  }
0x3d: {  	s19 =	smul.u32 $0x19000, s31;
	s14 =	sor.u32 $0x190, s14  }
0x3e: {  	[tilespmem:s14], [sflag:$0x1] =	stream.indirect_vreg.gather [hbm:s5], $0x80, v1, vm0, $0x38;
	[tilespmem:$0xC990] =	vst v63  }
0x3f: {  	s18 =	sshrl.u32 s16, $0x2;
	s20 =	sadd.s32 $0x10, s17;
	s15 =	sadd.s32 $0x400, s14  }
0x40: {  	[tilespmem:s15], [sflag:$0x1] =	stream.indirect_vreg.gather [hbm:s5], $0x80, v1, vm1, $0x38;
	[tilespmem:$0xC990] =	vst v63  }
0x41: {  	s16 =	sshrl.u32 s19, $0x2;
	s19 =	smov.u32 s14;
	v1 =	vld.msk [tilespmem:s20+$0x0 ss:$0x1], $0xffff;
	s20 =	simm.s32 $0x80  }
.LBB2_3:
0x42: {  	p1 =	sne.s32 s20, $0x2C0;
	_ =	sdelay $0x4  }
0x43: {  	v2 =	vand.u32 $0x1, v1;
	v3 =	vshll.u32 v1, $0x6  }
0x44: {  	vm2 =	veq.s32 v1, $0x80000000;
	vm3 =	veq.s32 v2, $0x1;
	v1 =	vand.u32 $0x3FFF80, v3  }
0x45: {  	v2 =	vsel vm3, $0x271000, v0;
	v1 =	vsel vm2, $0xFFFFFF80, v1  }
0x46: {  	v2 =	vsel vm2, $0xFFD8F000, v2;
	v3 =	vand.u32 $0xFFFFFC00, v1  }
0x47: {  	v1 =	vand.u32 $0x380, v1;
	v2 =	vadd.s32 v2, v3  }
0x48: {  	v1 =	vor.u32 v1, v2  }
0x49: {  	v1 =	vshrl.u32 v1, $0x3;
	_ =	sdelay $0x3  }
.Ltmp3:
0x4a: {  	s21 =	sshra.s32 s20, $0x2;
	s19 =	sadd.s32 $0x800, s19;
	(pc) =	sbr.rel @p1 .LBB2_3-.Ltmp3, $4  }
0x4b: {  	[tilespmem:s19], [sflag:$0x1] =	stream.indirect_vreg.gather [hbm:s5], $0x80, v1, vm0, $0x38;
	[tilespmem:$0xC990] =	vst v63  }
0x4c: {  	s21 =	sadd.s32 s21, s17;
	s22 =	sadd.s32 $0x400, s19  }
0x4d: {  	[tilespmem:s22], [sflag:$0x1] =	stream.indirect_vreg.gather [hbm:s5], $0x80, v1, vm1, $0x38;
	[tilespmem:$0xC990] =	vst v63  }
0x4e: {  	s20 =	sadd.s32 $0x40, s20;
	v1 =	vld.msk [tilespmem:s21+$0x0 ss:$0x1], $0xffff  }
0x4f: {  	_ =	sdelay $0x3  }
0x50: {  	v2 =	vand.u32 $0x1, v1;
	v3 =	vshll.u32 v1, $0x6  }
0x51: {  	vm2 =	veq.s32 v1, $0x80000000;
	vm3 =	veq.s32 v2, $0x1;
	v1 =	vand.u32 $0x3FFF80, v3  }
0x52: {  	v2 =	vsel vm3, $0x271000, v0;
	v1 =	vsel vm2, $0xFFFFFF80, v1  }
0x53: {  	v2 =	vsel vm2, $0xFFD8F000, v2;
	v3 =	vand.u32 $0xFFFFFC00, v1  }
0x54: {  	v1 =	vand.u32 $0x380, v1;
	v2 =	vadd.s32 v2, v3  }
0x55: {  	v1 =	vor.u32 v1, v2  }
0x56: {  	v1 =	vshrl.u32 v1, $0x3;
	_ =	sdelay $0x3  }
0x57: {  	s17 =	sadd.s32 $0x800, s19  }
0x58: {  	[tilespmem:s17], [sflag:$0x1] =	stream.indirect_vreg.gather [hbm:s5], $0x80, v1, vm0, $0x38;
	[tilespmem:$0xC990] =	vst v63  }
0x59: {  	s17 =	sadd.s32 $0x400, s17  }
0x5a: {  	[tilespmem:s17], [sflag:$0x1] =	stream.indirect_vreg.gather [hbm:s5], $0x80, v1, vm1, $0x38;
	[tilespmem:$0xC990] =	vst v63  }
0x5b: {  	v1 =	vld.msk [tilespmem:s18+$0xC0 ss:$0x1], $0xff;
	_ =	sdelay $0x4  }
0x5c: {  	v2 =	vand.u32 $0x1, v1;
	v3 =	vshll.u32 v1, $0x6  }
0x5d: {  	vm2 =	veq.s32 v1, $0x80000000;
	vm3 =	veq.s32 v2, $0x1;
	v1 =	vand.u32 $0x3FFF80, v3  }
0x5e: {  	v2 =	vsel vm3, $0x271000, v0;
	v1 =	vsel vm2, $0xFFFFFF80, v1  }
0x5f: {  	v2 =	vsel vm2, $0xFFD8F000, v2;
	v3 =	vand.u32 $0xFFFFFC00, v1  }
0x60: {  	v1 =	vand.u32 $0x380, v1;
	v2 =	vadd.s32 v2, v3  }
0x61: {  	v1 =	vor.u32 v1, v2  }
0x62: {  	v1 =	vshrl.u32 v1, $0x3;
	_ =	sdelay $0x3  }
0x63: {  	s16 =	sadd.s32 $0x6190, s16  }
0x64: {  	[tilespmem:s16], [sflag:$0x1] =	stream.indirect_vreg.gather [hbm:s5], $0x80, v1, vm0, $0x38;
	[tilespmem:$0xC990] =	vst v63  }
0x65: {  	s13 =	sshll.u32 s13, $0x4;
	_ =	swait.ge [sflag:s6], $0x6400  }
0x66: {  	s13 =	sadd.s32 s13, s9;
	[sflag:s6] =	ssyncset.done $0x0  }
0x67: {  	s17 =	sadd.s32 $0x0, s13;
	s16 =	simm.s32 $0x80;
	[sflag:s6] =	ssyncadd.s32 $0xFFFF9C00  }
.LBB2_5:
0x68: {  	[hbm:s17] =	stream.linear.scatter [tilespmem:s14], [sflag:$0x3], $0x400, $0x38;
	[tilespmem:$0xC990] =	vst v63  }
0x69: {  	s17 =	smov.u32 s16;
	s14 =	smov.u32 s15;
	p1 =	sne.s32 s16, $0xC00  }
.Ltmp4:
0x6a: {  	s16 =	sadd.s32 $0x80, s16;
	(pc) =	sbr.rel @p1 .LBB2_5-.Ltmp4, $2  }
0x6b: {  	_ =	sdelay $0x2  }
0x6c: {  	s15 =	sadd.s32 $0x400, s15;
	s17 =	sadd.s32 s17, s13  }
.Ltmp5:
0x6d: {  	_ = 	snop;
	(pc) =	sbr.rel .LBB2_6-.Ltmp5, $1  }
0x6e: {  	_ =	sdelay $0x3  }
.LBB2_8:
0x6f: {  	_ =	sfence.sel $0x180000  }
0x70: {  	s1 =	simm.s32 $0x2;
	[bflag:$0x0] =	sbarrier.arrive $0xFFFF  }
0x71: {  	s30 =	simm.s32 $0x3;
	[sflag:s1] =	ssyncpa.u1 $0x1  }
0x72: {  	s31 =	simm.s32 $0x1;
	[sflag:s30] =	ssyncpa.u1 $0x1  }
0x73: {  	[sflag:s31] =	ssyncpa.u1 $0x1  }
0x74: {  	p0 =	sne.s32 s0, $0x0;
	_ =	strace $0x9000004A  }
0x75: {  	s0 =	sadd.s32 @!p0 $0x100000, s2;
	[bflag:$0x2] =	sbarrier.arrive $0xFFFF  }
0x76: {  	[sflag:s0] =	ssyncadd.tile.s32 @!p0 $0x1;
	_ =	shalt  }
.Lfunc_end2:
_tile_overlayer_lowered:
.L_overlay_start_2:
0x77: {  	(tag) =	ssettag $0x2  }
0x78: {  	s0 =	rddreg [dreg:$0x0];
	s2 =	stileid.u32  }
0x79: {  	s1 =	rddreg [dreg:$0x1];
	p0 =	sne.s32 s2, $0x0  }
0x7a: {  	s3 =	rddreg [dreg:$0x2];
	[bflag:$0x3] =	sbarrier.arrive $0xFFFF;
	s2 =	simm.s32 @!p0 $0x1C01  }
0x7b: {  	[timem:s3], [sflag:s2] =	dma.local @!p0 [hbm:s0], s1  }
0x7c: {  	s0 =	simm.s32 @!p0 $0x1  }
0x7d: {  	_ =	swait.ge @!p0 [sflag:s0], s1  }
0x7e: {  	s1 =	ssub.s32 @!p0 $0x0, s1;
	[sflag:s0] =	ssyncset.done @!p0 $0x0  }
0x7f: {  	[sflag:s0] =	ssyncadd.s32 @!p0 s1  }
0x80: {  	[bflag:$0x3] =	sbarrier.arrive $0xFFFF  }
0x81: {  	_ =	shalt  }

</sc_bundles>
